<compile_context>
chip_gen: v7x
topology: tpu7x:2x2x1
jax: 0.10.2.dev20260603
libtpu: 0.0.44.dev20260713+nightly
codegen_flags: <defaults>
</compile_context>

<pallas_src>
import functools

import jax
import jax.numpy as jnp
from jax import lax
from jax.experimental import pallas as pl
from jax.experimental.pallas import tpu as pltpu, tpu_sc as plsc

NUM_CLASSES = 10
NC, NS, L = 2, 16, 16
NW = NC * NS
BATCH = 16384
ROWS_PER_W = BATCH // NW
GROUPS = ROWS_PER_W // L

_mesh = plsc.VectorSubcoreMesh(core_axis_name="c", subcore_axis_name="s")


@functools.partial(
    pl.kernel,
    out_type=jax.ShapeDtypeStruct((BATCH,), jnp.int32),
    mesh=_mesh,
    compiler_params=pltpu.CompilerParams(
        needs_layout_passes=False,
        skip_device_barrier=True,
        disable_bounds_checks=True,
        disable_semaphore_checks=True,
    ),
    scratch_types=[
        pltpu.VMEM((ROWS_PER_W, NUM_CLASSES), jnp.float32),
        pltpu.VMEM((L,), jnp.int32),
        pltpu.VMEM((ROWS_PER_W,), jnp.int32),
    ],
)
def _label_map(logits_hbm, map_hbm, out_hbm, buf, map_v, out_v):
    wid = lax.axis_index("s") * NC + lax.axis_index("c")
    pltpu.sync_copy(logits_hbm.at[pl.ds(wid * ROWS_PER_W, ROWS_PER_W), :], buf)
    pltpu.sync_copy(map_hbm, map_v.at[pl.ds(0, NUM_CLASSES)])

    lane = lax.iota(jnp.int32, L)
    zero = jnp.zeros((L,), jnp.int32)

    def body(g, carry):
        rows = lane + g * L
        best = plsc.load_gather(buf, [rows, zero])
        besti = zero
        for c in range(1, NUM_CLASSES):
            v = plsc.load_gather(buf, [rows, jnp.full((L,), c, jnp.int32)])
            gt = v > best
            best = jnp.where(gt, v, best)
            besti = jnp.where(gt, jnp.full((L,), c, jnp.int32), besti)
        out_v[pl.ds(g * L, L)] = plsc.load_gather(map_v, [besti])
        return carry

    lax.fori_loop(0, GROUPS, body, 0)
    pltpu.sync_copy(out_v, out_hbm.at[pl.ds(wid * ROWS_PER_W, ROWS_PER_W)])


def kernel(logits, mapping):
    return _label_map(logits, mapping.astype(jnp.int32))

# --- scband reference (transcript-rebuilt; emitter-appended) ---
"""Pipeline reference for scband-label-mapper-82368882802806 (READ-ONLY COPY).

The authoritative reference and input builder live on the scoring server;
editing this copy changes nothing except your own understanding.
"""

import jax, jax.numpy as jnp
import numpy as np


def setup_inputs(seed: int = 0) -> dict:
    key = jax.random.key(seed)
    logits = jax.random.normal(key, (16384, 10), dtype=jnp.float32)
    # Buffer built in __init__: torch.randperm(10) under seed 42.
    # Any fixed permutation is a faithful stand-in for the registered buffer.
    rng = np.random.RandomState(42)
    mapping = jnp.asarray(rng.permutation(10), dtype=jnp.int64)
    return {"logits": logits, "mapping": mapping}


def reference(logits, mapping):
    # torch.max(logits, 1) -> (values, indices); only indices are used.
    preds = jnp.argmax(logits, axis=1)
    # self.mapping[preds] -> gather from the mapping buffer
    return jnp.take(mapping, preds, axis=0)

if __name__ == "__main__":
    import jax
    _d = setup_inputs()
    print(jax.jit(kernel)(*tuple(_d.values())))

</pallas_src>

<mosaic_0001>
#map = affine_map<(d0, d1) -> (0, 0)>
#map1 = affine_map<(d0, d1) -> (0)>
module attributes {stable_mosaic.version = 14 : i64} {
  func.func @_label_map(%arg0: i32, %arg1: i32, %arg2: memref<16384x10xf32, #tpu.memory_space<hbm>>, %arg3: memref<10xi32, #tpu.memory_space<hbm>>, %arg4: memref<16384xi32, #tpu.memory_space<hbm>>, %arg5: memref<512x10xf32, #tpu.memory_space<vmem>>, %arg6: memref<16xi32, #tpu.memory_space<vmem>>, %arg7: memref<512xi32, #tpu.memory_space<vmem>>) attributes {dimension_semantics = [#tpu.dimension_semantics<core_parallel>, #tpu.dimension_semantics<subcore_parallel>], iteration_bounds = array<i64: 2, 16>, scalar_prefetch = 0 : i64, scratch_operands = 3 : i64, tpu.core_type = #tpu.core_type<sc_vector_subcore>, window_params = [{transform_indices = #map}, {transform_indices = #map1}, {transform_indices = #map1}]} {
    %mul3A = arith.constant 2 : i32
    %mul3A_0 = arith.muli %arg1, %mul3A : i32
    %add3A = arith.addi %mul3A_0, %arg0 : i32
    %mul3A_1 = arith.constant 512 : i32
    %mul3A_2 = arith.muli %add3A, %mul3A_1 : i32
    "tpu.region"() ({
      %run_scoped3A = tpu.sem_alloc : memref<!tpu.dma_semaphore, #tpu.memory_space<semaphore_mem>>
      %dma_start3A = arith.constant 0 : i32
      %dma_start3A_11 = tpu.memref_slice %arg2[%mul3A_2, %dma_start3A] : memref<16384x10xf32, #tpu.memory_space<hbm>> -> memref<512x10xf32, #tpu.memory_space<hbm>>
      %dma_start3A_12 = arith.constant 0 : i32
      %dma_start3A_13 = tpu.memref_slice %arg2[%mul3A_2, %dma_start3A_12] : memref<16384x10xf32, #tpu.memory_space<hbm>> -> memref<512x10xf32, #tpu.memory_space<hbm>>
      tpu.enqueue_dma source(%dma_start3A_13 : memref<512x10xf32, #tpu.memory_space<hbm>>) target(%arg5 : memref<512x10xf32, #tpu.memory_space<vmem>>) target_semaphore(%run_scoped3A : memref<!tpu.dma_semaphore, #tpu.memory_space<semaphore_mem>>)
      %dma_wait3A = arith.constant 0 : i32
      %dma_wait3A_14 = tpu.memref_slice %arg2[%mul3A_2, %dma_wait3A] : memref<16384x10xf32, #tpu.memory_space<hbm>> -> memref<512x10xf32, #tpu.memory_space<hbm>>
      %dma_wait3A_15 = arith.constant 0 : i32
      %dma_wait3A_16 = tpu.memref_slice %arg2[%mul3A_2, %dma_wait3A_15] : memref<16384x10xf32, #tpu.memory_space<hbm>> -> memref<512x10xf32, #tpu.memory_space<hbm>>
      tpu.wait_dma2 semaphore(%run_scoped3A : memref<!tpu.dma_semaphore, #tpu.memory_space<semaphore_mem>>) src(%dma_wait3A_16 : memref<512x10xf32, #tpu.memory_space<hbm>>) dst(%arg5 : memref<512x10xf32, #tpu.memory_space<vmem>>)
      tpu.yield
    }) : () -> ()
    "tpu.region"() ({
      %run_scoped3A = tpu.sem_alloc : memref<!tpu.dma_semaphore, #tpu.memory_space<semaphore_mem>>
      %dma_start3A = arith.constant 0 : i32
      %dma_start3A_11 = tpu.memref_slice %arg6[%dma_start3A] : memref<16xi32, #tpu.memory_space<vmem>> -> memref<10xi32, #tpu.memory_space<vmem>>
      %dma_start3A_12 = arith.constant 0 : i32
      %dma_start3A_13 = tpu.memref_slice %arg6[%dma_start3A_12] : memref<16xi32, #tpu.memory_space<vmem>> -> memref<10xi32, #tpu.memory_space<vmem>>
      tpu.enqueue_dma source(%arg3 : memref<10xi32, #tpu.memory_space<hbm>>) target(%dma_start3A_13 : memref<10xi32, #tpu.memory_space<vmem>>) target_semaphore(%run_scoped3A : memref<!tpu.dma_semaphore, #tpu.memory_space<semaphore_mem>>)
      %dma_wait3A = arith.constant 0 : i32
      %dma_wait3A_14 = tpu.memref_slice %arg6[%dma_wait3A] : memref<16xi32, #tpu.memory_space<vmem>> -> memref<10xi32, #tpu.memory_space<vmem>>
      %dma_wait3A_15 = arith.constant 0 : i32
      %dma_wait3A_16 = tpu.memref_slice %arg6[%dma_wait3A_15] : memref<16xi32, #tpu.memory_space<vmem>> -> memref<10xi32, #tpu.memory_space<vmem>>
      tpu.wait_dma2 semaphore(%run_scoped3A : memref<!tpu.dma_semaphore, #tpu.memory_space<semaphore_mem>>) src(%arg3 : memref<10xi32, #tpu.memory_space<hbm>>) dst(%dma_wait3A_16 : memref<10xi32, #tpu.memory_space<vmem>>)
      tpu.yield
    }) : () -> ()
    %iota3A = tpu.iota {dimensions = array<i32: 0>} : vector<16xi32>
    %broadcast_in_dim3A = arith.constant 0 : i32
    %broadcast_in_dim3A_3 = vector.broadcast %broadcast_in_dim3A : i32 to vector<16xi32>
    %scan3A = arith.constant 0 : i32
    %scan3A_4 = arith.constant 0 : i32
    %scan3A_5 = arith.constant 32 : i32
    %scan3A_6 = arith.addi %scan3A_4, %scan3A_5 : i32
    %scan3A_7 = arith.constant 1 : i32
    scf.for %scan3A_11 = %scan3A_4 to %scan3A_6 step %scan3A_7  : i32 {
      %mul3A_12 = arith.constant 16 : i32
      %mul3A_13 = arith.muli %scan3A_11, %mul3A_12 : i32
      %add3A_14 = vector.broadcast %mul3A_13 : i32 to vector<16xi32>
      %add3A_15 = arith.addi %iota3A, %add3A_14 : vector<16xi32>
      %gather3A = tpu.vector_load_idx %arg5[%add3A_15, %broadcast_in_dim3A_3] : memref<512x10xf32, #tpu.memory_space<vmem>>[vector<16xi32>, vector<16xi32>], vector<16xf32>,
      %broadcast_in_dim3A_16 = arith.constant 1 : i32
      %broadcast_in_dim3A_17 = vector.broadcast %broadcast_in_dim3A_16 : i32 to vector<16xi32>
      %gather3A_18 = tpu.vector_load_idx %arg5[%add3A_15, %broadcast_in_dim3A_17] : memref<512x10xf32, #tpu.memory_space<vmem>>[vector<16xi32>, vector<16xi32>], vector<16xf32>,
      %gt3A = arith.cmpf ogt, %gather3A_18, %gather3A : vector<16xf32>
      %select_n3A = arith.select %gt3A, %gather3A_18, %gather3A : vector<16xi1>, vector<16xf32>
      %broadcast_in_dim3A_19 = arith.constant 1 : i32
      %broadcast_in_dim3A_20 = vector.broadcast %broadcast_in_dim3A_19 : i32 to vector<16xi32>
      %select_n3A_21 = arith.select %gt3A, %broadcast_in_dim3A_20, %broadcast_in_dim3A_3 : vector<16xi1>, vector<16xi32>
      %broadcast_in_dim3A_22 = arith.constant 2 : i32
      %broadcast_in_dim3A_23 = vector.broadcast %broadcast_in_dim3A_22 : i32 to vector<16xi32>
      %gather3A_24 = tpu.vector_load_idx %arg5[%add3A_15, %broadcast_in_dim3A_23] : memref<512x10xf32, #tpu.memory_space<vmem>>[vector<16xi32>, vector<16xi32>], vector<16xf32>,
      %gt3A_25 = arith.cmpf ogt, %gather3A_24, %select_n3A : vector<16xf32>
      %select_n3A_26 = arith.select %gt3A_25, %gather3A_24, %select_n3A : vector<16xi1>, vector<16xf32>
      %broadcast_in_dim3A_27 = arith.constant 2 : i32
      %broadcast_in_dim3A_28 = vector.broadcast %broadcast_in_dim3A_27 : i32 to vector<16xi32>
      %select_n3A_29 = arith.select %gt3A_25, %broadcast_in_dim3A_28, %select_n3A_21 : vector<16xi1>, vector<16xi32>
      %broadcast_in_dim3A_30 = arith.constant 3 : i32
      %broadcast_in_dim3A_31 = vector.broadcast %broadcast_in_dim3A_30 : i32 to vector<16xi32>
      %gather3A_32 = tpu.vector_load_idx %arg5[%add3A_15, %broadcast_in_dim3A_31] : memref<512x10xf32, #tpu.memory_space<vmem>>[vector<16xi32>, vector<16xi32>], vector<16xf32>,
      %gt3A_33 = arith.cmpf ogt, %gather3A_32, %select_n3A_26 : vector<16xf32>
      %select_n3A_34 = arith.select %gt3A_33, %gather3A_32, %select_n3A_26 : vector<16xi1>, vector<16xf32>
      %broadcast_in_dim3A_35 = arith.constant 3 : i32
      %broadcast_in_dim3A_36 = vector.broadcast %broadcast_in_dim3A_35 : i32 to vector<16xi32>
      %select_n3A_37 = arith.select %gt3A_33, %broadcast_in_dim3A_36, %select_n3A_29 : vector<16xi1>, vector<16xi32>
      %broadcast_in_dim3A_38 = arith.constant 4 : i32
      %broadcast_in_dim3A_39 = vector.broadcast %broadcast_in_dim3A_38 : i32 to vector<16xi32>
      %gather3A_40 = tpu.vector_load_idx %arg5[%add3A_15, %broadcast_in_dim3A_39] : memref<512x10xf32, #tpu.memory_space<vmem>>[vector<16xi32>, vector<16xi32>], vector<16xf32>,
      %gt3A_41 = arith.cmpf ogt, %gather3A_40, %select_n3A_34 : vector<16xf32>
      %select_n3A_42 = arith.select %gt3A_41, %gather3A_40, %select_n3A_34 : vector<16xi1>, vector<16xf32>
      %broadcast_in_dim3A_43 = arith.constant 4 : i32
      %broadcast_in_dim3A_44 = vector.broadcast %broadcast_in_dim3A_43 : i32 to vector<16xi32>
      %select_n3A_45 = arith.select %gt3A_41, %broadcast_in_dim3A_44, %select_n3A_37 : vector<16xi1>, vector<16xi32>
      %broadcast_in_dim3A_46 = arith.constant 5 : i32
      %broadcast_in_dim3A_47 = vector.broadcast %broadcast_in_dim3A_46 : i32 to vector<16xi32>
      %gather3A_48 = tpu.vector_load_idx %arg5[%add3A_15, %broadcast_in_dim3A_47] : memref<512x10xf32, #tpu.memory_space<vmem>>[vector<16xi32>, vector<16xi32>], vector<16xf32>,
      %gt3A_49 = arith.cmpf ogt, %gather3A_48, %select_n3A_42 : vector<16xf32>
      %select_n3A_50 = arith.select %gt3A_49, %gather3A_48, %select_n3A_42 : vector<16xi1>, vector<16xf32>
      %broadcast_in_dim3A_51 = arith.constant 5 : i32
      %broadcast_in_dim3A_52 = vector.broadcast %broadcast_in_dim3A_51 : i32 to vector<16xi32>
      %select_n3A_53 = arith.select %gt3A_49, %broadcast_in_dim3A_52, %select_n3A_45 : vector<16xi1>, vector<16xi32>
      %broadcast_in_dim3A_54 = arith.constant 6 : i32
      %broadcast_in_dim3A_55 = vector.broadcast %broadcast_in_dim3A_54 : i32 to vector<16xi32>
      %gather3A_56 = tpu.vector_load_idx %arg5[%add3A_15, %broadcast_in_dim3A_55] : memref<512x10xf32, #tpu.memory_space<vmem>>[vector<16xi32>, vector<16xi32>], vector<16xf32>,
      %gt3A_57 = arith.cmpf ogt, %gather3A_56, %select_n3A_50 : vector<16xf32>
      %select_n3A_58 = arith.select %gt3A_57, %gather3A_56, %select_n3A_50 : vector<16xi1>, vector<16xf32>
      %broadcast_in_dim3A_59 = arith.constant 6 : i32
      %broadcast_in_dim3A_60 = vector.broadcast %broadcast_in_dim3A_59 : i32 to vector<16xi32>
      %select_n3A_61 = arith.select %gt3A_57, %broadcast_in_dim3A_60, %select_n3A_53 : vector<16xi1>, vector<16xi32>
      %broadcast_in_dim3A_62 = arith.constant 7 : i32
      %broadcast_in_dim3A_63 = vector.broadcast %broadcast_in_dim3A_62 : i32 to vector<16xi32>
      %gather3A_64 = tpu.vector_load_idx %arg5[%add3A_15, %broadcast_in_dim3A_63] : memref<512x10xf32, #tpu.memory_space<vmem>>[vector<16xi32>, vector<16xi32>], vector<16xf32>,
      %gt3A_65 = arith.cmpf ogt, %gather3A_64, %select_n3A_58 : vector<16xf32>
      %select_n3A_66 = arith.select %gt3A_65, %gather3A_64, %select_n3A_58 : vector<16xi1>, vector<16xf32>
      %broadcast_in_dim3A_67 = arith.constant 7 : i32
      %broadcast_in_dim3A_68 = vector.broadcast %broadcast_in_dim3A_67 : i32 to vector<16xi32>
      %select_n3A_69 = arith.select %gt3A_65, %broadcast_in_dim3A_68, %select_n3A_61 : vector<16xi1>, vector<16xi32>
      %broadcast_in_dim3A_70 = arith.constant 8 : i32
      %broadcast_in_dim3A_71 = vector.broadcast %broadcast_in_dim3A_70 : i32 to vector<16xi32>
      %gather3A_72 = tpu.vector_load_idx %arg5[%add3A_15, %broadcast_in_dim3A_71] : memref<512x10xf32, #tpu.memory_space<vmem>>[vector<16xi32>, vector<16xi32>], vector<16xf32>,
      %gt3A_73 = arith.cmpf ogt, %gather3A_72, %select_n3A_66 : vector<16xf32>
      %select_n3A_74 = arith.select %gt3A_73, %gather3A_72, %select_n3A_66 : vector<16xi1>, vector<16xf32>
      %broadcast_in_dim3A_75 = arith.constant 8 : i32
      %broadcast_in_dim3A_76 = vector.broadcast %broadcast_in_dim3A_75 : i32 to vector<16xi32>
      %select_n3A_77 = arith.select %gt3A_73, %broadcast_in_dim3A_76, %select_n3A_69 : vector<16xi1>, vector<16xi32>
      %broadcast_in_dim3A_78 = arith.constant 9 : i32
      %broadcast_in_dim3A_79 = vector.broadcast %broadcast_in_dim3A_78 : i32 to vector<16xi32>
      %gather3A_80 = tpu.vector_load_idx %arg5[%add3A_15, %broadcast_in_dim3A_79] : memref<512x10xf32, #tpu.memory_space<vmem>>[vector<16xi32>, vector<16xi32>], vector<16xf32>,
      %gt3A_81 = arith.cmpf ogt, %gather3A_80, %select_n3A_74 : vector<16xf32>
      %select_n3A_82 = arith.select %gt3A_81, %gather3A_80, %select_n3A_74 : vector<16xi1>, vector<16xf32>
      %broadcast_in_dim3A_83 = arith.constant 9 : i32
      %broadcast_in_dim3A_84 = vector.broadcast %broadcast_in_dim3A_83 : i32 to vector<16xi32>
      %select_n3A_85 = arith.select %gt3A_81, %broadcast_in_dim3A_84, %select_n3A_77 : vector<16xi1>, vector<16xi32>
      %gather3A_86 = tpu.vector_load_idx %arg6[%select_n3A_85] : memref<16xi32, #tpu.memory_space<vmem>>[vector<16xi32>], vector<16xi32>,
      %mul3A_87 = arith.constant 16 : i32
      %mul3A_88 = arith.muli %scan3A_11, %mul3A_87 : i32
      %swap3A = arith.index_cast %mul3A_88 : i32 to index
      %swap3A_89 = tpu.vector_load %arg7[%swap3A] {strides = array<i32>} : memref<512xi32, #tpu.memory_space<vmem>>, vector<16xi32>,
      tpu.vector_store %arg7[%swap3A], %gather3A_86 {strides = array<i32>} : memref<512xi32, #tpu.memory_space<vmem>>, vector<16xi32>,
    }
    %scan3A_8 = arith.constant 32 : i32
    %mul3A_9 = arith.constant 512 : i32
    %mul3A_10 = arith.muli %add3A, %mul3A_9 : i32
    "tpu.region"() ({
      %run_scoped3A = tpu.sem_alloc : memref<!tpu.dma_semaphore, #tpu.memory_space<semaphore_mem>>
      %dma_start3A = tpu.memref_slice %arg4[%mul3A_10] : memref<16384xi32, #tpu.memory_space<hbm>> -> memref<512xi32, #tpu.memory_space<hbm>>
      %dma_start3A_11 = tpu.memref_slice %arg4[%mul3A_10] : memref<16384xi32, #tpu.memory_space<hbm>> -> memref<512xi32, #tpu.memory_space<hbm>>
      tpu.enqueue_dma source(%arg7 : memref<512xi32, #tpu.memory_space<vmem>>) target(%dma_start3A_11 : memref<512xi32, #tpu.memory_space<hbm>>) target_semaphore(%run_scoped3A : memref<!tpu.dma_semaphore, #tpu.memory_space<semaphore_mem>>)
      %dma_wait3A = tpu.memref_slice %arg4[%mul3A_10] : memref<16384xi32, #tpu.memory_space<hbm>> -> memref<512xi32, #tpu.memory_space<hbm>>
      %dma_wait3A_12 = tpu.memref_slice %arg4[%mul3A_10] : memref<16384xi32, #tpu.memory_space<hbm>> -> memref<512xi32, #tpu.memory_space<hbm>>
      tpu.wait_dma2 semaphore(%run_scoped3A : memref<!tpu.dma_semaphore, #tpu.memory_space<semaphore_mem>>) src(%arg7 : memref<512xi32, #tpu.memory_space<vmem>>) dst(%dma_wait3A_12 : memref<512xi32, #tpu.memory_space<hbm>>)
      tpu.yield
    }) : () -> ()
    return
  }
}

</mosaic_0001>

<sc_bundles>
// kernel: kernel.3.cloned.1.call-start
scs
__scs_entry_jumppad:
0x0: {  	(pc) =	sbr.rel $0x88, $3  }
0x1: {  	(tag) =	ssettag $0x0;
	lr =	simm.s32 $0x1  }
0x2: {  	[smem:$0x3F9F] =	sst lr;
	_ =	strace $0xD0000000  }
0x3: {  	_ = 	snop  }
0x4: {  	_ = 	snop  }
0x5: {  	_ = 	snop  }
0x6: {  	_ = 	snop  }
0x7: {  	_ = 	snop  }
__scs_overlays_trampoline_lowered:
0x8: {  	[smem:$0x3FAE] =	sst s0  }
0x9: {  	[smem:$0x3FAF] =	sst s1  }
0xa: {  	[smem:$0x3FB0] =	sst s2  }
0xb: {  	[smem:$0x3FB1] =	sst s3  }
0xc: {  	[smem:$0x3FB2] =	sst s4  }
0xd: {  	[smem:$0x3FB3] =	sst s5  }
0xe: {  	[smem:$0x3FB4] =	sst s6  }
0xf: {  	[smem:$0x3FB5] =	sst s7  }
0x10: {  	[smem:$0x3FB6] =	sst s8  }
0x11: {  	[smem:$0x3FB7] =	sst s9;
	s0 =	simm.s32 @!p0 $0x0  }
0x12: {  	s1 =	sld [smem:$0x3F9D];
	s0 =	simm.s32 @p0 $0x1  }
0x13: {  	[smem:$0x3FB8] =	sst s0;
	s0 =	simm.s32 @!p1 $0x0  }
0x14: {  	s2 =	sld [smem:$0x3F9C];
	s0 =	simm.s32 @p1 $0x1  }
0x15: {  	[smem:$0x3FB9] =	sst s0;
	s0 =	simm.s32 @!p2 $0x0  }
0x16: {  	s3 =	sld [smem:$0x3FDB];
	s0 =	simm.s32 @p2 $0x1  }
0x17: {  	s4 =	simm.s32 $0x1BF5;
	[smem:$0x3FBB] =	sst s0  }
0x18: {  	s0 =	sld [smem:$0x3F9E];
	_ =	swait.ge [sflag:s4], $0x0  }
0x19: {  	s7 =	sld [smem:$0x3F9F]  }
0x1a: {  	s8 =	sadd.s32 $0xFFFFE003, lr  }
0x1b: {  	s9 =	sadd.s32 $0xFFFFFEF7, lr;
	s5 =	simm.s32 $0xFFFFFFFF;
	p2 =	slt.u32 s8, $0xFFFFF086  }
0x1c: {  	p1 =	slt.u32 s9, $0xF7A;
	s5 =	simm.s32 @!p2 $0x0  }
0x1d: {  	s5 =	simm.s32 @p1 $0x1;
	p0 =	seq.s32 s7, s2  }
0x1e: {  	s7 =	smul.u32 @!p0 $0xF7A, s2;
	p2 =	seq.s32 @!p0 s5, $0x0  }
0x1f: {  	s9 =	smul.u32 $0xF7A, s1;
	s8 =	simm.s32 @!p0 $0x1BF5;
	p2 =	por !p2, p0  }
0x20: {  	[sflag:s8] =	ssyncset.s32 @!p0 $0xFFFFF086;
	s6 =	sadd.s32 @!p0 s3, s7;
	s7 =	simm.s32 @!p0 $0x108  }
0x21: {  	s3 =	sadd.s32 s3, s9;
	s6 =	sadd.s32 @!p0 $0x88, s6;
	s7 =	simm.s32 @p2 $0x1082  }
0x22: {  	[simem:s7], [sflag:s8] =	dma.local @!p0 [hbm:s6], $0xF7A  }
0x23: {  	s9 =	sor.u32 $0xD0000000, s2;
	s6 =	simm.s32 $0x108;
	_ =	swait.ge @!p0 [sflag:s8], $0x0  }
0x24: {  	s3 =	sadd.s32 $0x88, s3;
	s6 =	simm.s32 @!p1 $0x1082;
	[sflag:s4] =	ssyncset.s32 $0xFFFFF086  }
0x25: {  	[simem:s6], [sflag:s4] =	dma.local [hbm:s3], $0xF7A  }
0x26: {  	[smem:$0x3F9F] =	sst s1;
	(tag) =	ssettag s2;
	_ =	strace s9  }
0x27: {  	s1 =	sld [smem:$0x3FAF]  }
0x28: {  	s2 =	sld [smem:$0x3FB0]  }
0x29: {  	s4 =	sld [smem:$0x3FB2]  }
0x2a: {  	p0 =	seq.s32 s5, $0x0;
	s5 =	sld [smem:$0x3FB3]  }
0x2b: {  	s6 =	sld [smem:$0x3FB4]  }
0x2c: {  	s7 =	sld [smem:$0x3FB5]  }
0x2d: {  	s3 =	simm.s32 $0x108;
	s8 =	sld [smem:$0x3FB6]  }
0x2e: {  	s3 =	simm.s32 @!p0 $0x1082;
	s9 =	sld [smem:$0x3FB7]  }
0x2f: {  	lr =	sadd.s32 s0, s3;
	s0 =	sld [smem:$0x3FAE]  }
0x30: {  	s3 =	sld [smem:$0x3FB1]  }
0x31: {  	[smem:$0x3FBA] =	sst s10  }
0x32: {  	s10 =	sld [smem:$0x3FB8];
	_ =	sdelay $0x3  }
0x33: {  	p0 =	seq.s32 s10, $0x1;
	s10 =	sld [smem:$0x3FBA];
	_ =	sdelay $0x3  }
0x34: {  	[smem:$0x3FBA] =	sst s10  }
0x35: {  	s10 =	sld [smem:$0x3FB9];
	_ =	sdelay $0x3  }
0x36: {  	p1 =	seq.s32 s10, $0x1;
	s10 =	sld [smem:$0x3FBA];
	_ =	sdelay $0x3  }
0x37: {  	[smem:$0x3FBA] =	sst s10  }
0x38: {  	s10 =	sld [smem:$0x3FBB]  }
0x39: {  	_ = 	snop;
	(pc) =	sbr.ind lr, $3  }
0x3a: {  	_ = 	snop  }
0x3b: {  	_ = 	snop  }
0x3c: {  	p2 =	seq.s32 s10, $0x1;
	s10 =	sld [smem:$0x3FBA]  }
0x3d: {  	_ =	shalt  }
0x3e: {  	_ =	shalt  }
0x3f: {  	_ =	shalt  }
0x40: {  	_ =	shalt  }
0x41: {  	_ =	shalt  }
0x42: {  	_ =	shalt  }
0x43: {  	_ =	shalt  }
0x44: {  	_ =	shalt  }
0x45: {  	_ =	shalt  }
0x46: {  	_ =	shalt  }
0x47: {  	_ =	shalt  }
0x48: {  	_ =	shalt  }
0x49: {  	_ =	shalt  }
0x4a: {  	_ =	shalt  }
0x4b: {  	_ =	shalt  }
0x4c: {  	_ =	shalt  }
0x4d: {  	_ =	shalt  }
0x4e: {  	_ =	shalt  }
0x4f: {  	_ =	shalt  }
0x50: {  	_ =	shalt  }
0x51: {  	_ =	shalt  }
0x52: {  	_ =	shalt  }
0x53: {  	_ =	shalt  }
0x54: {  	_ =	shalt  }
0x55: {  	_ =	shalt  }
0x56: {  	_ =	shalt  }
0x57: {  	_ =	shalt  }
0x58: {  	_ =	shalt  }
0x59: {  	_ =	shalt  }
0x5a: {  	_ =	shalt  }
0x5b: {  	_ =	shalt  }
0x5c: {  	_ =	shalt  }
0x5d: {  	_ =	shalt  }
0x5e: {  	_ =	shalt  }
0x5f: {  	_ =	shalt  }
0x60: {  	_ =	shalt  }
0x61: {  	_ =	shalt  }
0x62: {  	_ =	shalt  }
0x63: {  	_ =	shalt  }
0x64: {  	_ =	shalt  }
0x65: {  	_ =	shalt  }
0x66: {  	_ =	shalt  }
0x67: {  	_ =	shalt  }
0x68: {  	_ =	shalt  }
0x69: {  	_ =	shalt  }
0x6a: {  	_ =	shalt  }
0x6b: {  	_ =	shalt  }
0x6c: {  	_ =	shalt  }
0x6d: {  	_ =	shalt  }
0x6e: {  	_ =	shalt  }
0x6f: {  	_ =	shalt  }
0x70: {  	_ =	shalt  }
0x71: {  	_ =	shalt  }
0x72: {  	_ =	shalt  }
0x73: {  	_ =	shalt  }
0x74: {  	_ =	shalt  }
0x75: {  	_ =	shalt  }
0x76: {  	_ =	shalt  }
0x77: {  	_ =	shalt  }
0x78: {  	_ =	shalt  }
0x79: {  	_ =	shalt  }
0x7a: {  	_ =	shalt  }
0x7b: {  	_ =	shalt  }
0x7c: {  	_ =	shalt  }
0x7d: {  	_ =	shalt  }
0x7e: {  	_ =	shalt  }
0x7f: {  	_ =	shalt  }
0x80: {  	_ =	shalt  }
0x81: {  	_ =	shalt  }
0x82: {  	_ =	shalt  }
0x83: {  	_ =	shalt  }
0x84: {  	_ =	shalt  }
0x85: {  	_ =	shalt  }
0x86: {  	_ =	shalt  }
0x87: {  	_ =	shalt  }
.Lfunc_end0:
.L_simem_size_0:
called_computation_lowered:
.L_overlay_start_0:
0x88: {  	s2 =	sld [smem:$0x3FD9]  }
0x89: {  	s3 =	sld [smem:$0x3FFE];
	_ =	sdelay $0x1  }
0x8a: {  	s1 =	srdreg.scid  }
0x8b: {  	s0 =	sand.u32 $0x1, s1  }
0x8c: {  	s17 =	sshll.u32 s0, $0xA;
	s2 =	sadd.s32 s3, s2  }
0x8d: {  	s2 =	sadd.s32 s2, s17  }
0x8e: {  	[smem:$0x3FC6] =	sst s2  }
0x8f: {  	_ = 	snop  }
0x90: {  	s2 =	sld [smem:$0x3FC8]  }
0x91: {  	s18 =	sld [smem:$0x3FD0];
	(tm) =	ssettm $0x1  }
0x92: {  	s4 =	sld [smem:$0x3FFB];
	_ =	sdelay $0x3  }
0x93: {  	_ =	strace s4  }
0x94: {  	s4 =	sld [smem:$0x3FFC];
	_ =	sdelay $0x3  }
0x95: {  	_ =	strace s4  }
0x96: {  	s4 =	sld [smem:$0x3FFD];
	_ =	sdelay $0x3  }
0x97: {  	_ =	strace s4  }
0x98: {  	_ =	strace $0x8FFFFFFF  }
0x99: {  	s19 =	sld [smem:$0x3FDB];
	_ =	sdelay $0x1  }
0x9a: {  	s5 =	simm.s32 $_scs_section_size  }
0x9b: {  	s6 =	simm.s32 $_size__tile_overlayer_lowered;
	s7 =	simm.s32 $_tile_overlayer_lowered  }
0x9c: {  	s22 =	simm.s32 $0x1BFF;
	s21 =	sshll.u32 s7, $0x1;
	s4 =	sadd.s32 s5, s19  }
0x9d: {  	s8 =	simm.s32 $0x0;
	s20 =	sshll.u32 s6, $0x1;
	s6 =	sadd.s32 s21, s4  }
0x9e: {  	[timem:s8], [sflag:s22] =	dma.local [hbm:s6], s20  }
0x9f: {  	_ =	swait.ge [sflag:s22], s20  }
0xa0: {  	s5 =	ssub.s32 $0x0, s20;
	[sflag:s22] =	ssyncset.done $0x0  }
0xa1: {  	[sflag:s22] =	ssyncadd.s32 s5;
	_ =	sdelay $0x1  }
0xa2: {  	s23 =	simm.s32 $0x1B8B  }
0xa3: {  	_ =	swait.ge [sflag:s23], $0x1  }
0xa4: {  	[sflag:s23] =	ssyncset.done $0x0  }
0xa5: {  	s25 =	simm.s32 $0x1B8E;
	s24 =	sld [smem:$0x3FFE];
	[sflag:s23] =	ssyncadd.s32 $0xFFFFFFFF  }
0xa6: {  	s26 =	simm.s32 $execute0_lowered;
	[smem:$0x3FD2] =	sst s25  }
0xa7: {  	s6 =	sshll.u32 s26, $0x1;
	_ =	strace $0x80000046;
	[dreg:$0x1] =	wrdreg $0xFFFFFFFF  }
0xa8: {  	s28 =	simm.s32 $_size_execute0_lowered;
	s4 =	sadd.s32 s4, s6;
	[dreg:$0x0] =	wrdreg $0x0  }
0xa9: {  	s6 =	sshll.u32 s28, $0x1;
	[dreg:$0x2] =	wrdreg s4  }
0xaa: {  	[dreg:$0x3] =	wrdreg s6  }
0xab: {  	[dreg:$0x4] =	wrdreg $0xC0  }
0xac: {  	_ =	task [dreg:s8], $0x5FFFF  }
0xad: {  	[dreg:$0x1] =	wrdreg $0xFFFFFFFF  }
0xae: {  	[dreg:$0x0] =	wrdreg $0x60  }
0xaf: {  	[dreg:$0x2] =	wrdreg s24  }
0xb0: {  	[dreg:$0x3] =	wrdreg s2  }
0xb1: {  	[dreg:$0x4] =	wrdreg s18  }
0xb2: {  	[dreg:$0x5] =	wrdreg $0x9  }
0xb3: {  	_ =	task.clear_ibuf [dreg:s8], $0x6FFFF;
	_ =	strace $0x90000046  }
0xb4: {  	s29 =	simm.s32 $0x9;
	_ =	strace $0x80000048  }
0xb5: {  	_ =	swait.ge [sflag:s29], $0x1  }
0xb6: {  	[sflag:s29] =	ssyncadd.s32 $0xFFFFFFFF  }
0xb7: {  	_ =	strace $0x90000048  }
0xb8: {  	_ =	sfence  }
0xb9: {  	s30 =	sld [smem:$0x0];
	_ =	sdelay $0x2  }
0xba: {  	s31 =	sshll.u32 s1, $0xD;
	s1 =	sshrl.u32 s1, $0x2  }
0xbb: {  	s3 =	sand.u32 $0x4000, s31;
	s1 =	sadd.s32 s1, s30  }
0xbc: {  	s0 =	sor.u32 s3, s0;
	s1 =	sshll.u32 s1, $0x11  }
0xbd: {  	s0 =	sor.u32 s1, s0  }
0xbe: {  	s0 =	sadd.s32 $0x8F2B, s0  }
0xbf: {  	[sflag:s0] =	ssyncadd.remote.s32 $0x1  }
0xc0: {  	_ =	sfence.sel $0xFFFF  }
0xc1: {  	[dreg:$0x0] =	wrdreg $0xFFFFFFFF;
	(pc) =	sbr.abs _section_cstart, $3  }
0xc2: {  	[dreg:$0x1] =	wrdreg $0xFFFFFFFF  }
0xc3: {  	_ =	task.clear_ibuf [dreg:s8], $0x2FFFF;
	_ =	strace $0x9FFFFFFF  }
0xc4: {  	(tm) =	ssettm $0x7FFFFFFF  }
0xc5: {  	_ =	shalt  }
tec
execute0_lowered:
.L_overlay_start_1:
0x0: {  	(tag) =	ssettag $0x1  }
0x1: {  	s4 =	rddreg [dreg:$0x0]  }
0x2: {  	s1 =	srdreg.scid;
	s2 =	rddreg [dreg:$0x1]  }
0x3: {  	s0 =	stileid.u32;
	s6 =	rddreg [dreg:$0x2]  }
0x4: {  	s3 =	simm.s32 $0x0;
	s9 =	simm.s32 $0x10080;
	s10 =	simm.s32 $0x0  }
0x5: {  	s5 =	sand.u32 $0x1, s1;
	s7 =	sshll.u32 s0, $0xA;
	s1 =	rddreg [dreg:$0x3]  }
0x6: {  	[smem:$0x7FF] =	sst s3;
	s8 =	sshll.u32 s5, $0x9;
	s5 =	ssub.s32 $0x2, s5  }
0x7: {  	_ =	strace $0x80000047;
	s7 =	sor.u32 s8, s7;
	s30 =	sshrl.u32 s5, $0x1  }
0x8: {  	v0 =	vlaneseq.u32;
	s8 =	sshll.u32 s7, $0x4;
	s31 =	sshrl.u32 s7, $0x3;
	s7 =	simm.s32 $0x1  }
0x9: {  	v0 =	vmul.u32 $0x80, v0;
	s4 =	sadd.s32 s8, s4;
	s8 =	ssub.s32 s5, s30;
	s5 =	sadd.s32 s6, s31  }
0xa: {  	v1 =	vimm.s32 $0x0;
	s4 =	sadd.s32 $0x400, s4;
	s6 =	smax.u32 s8, $0x1;
	s8 =	simm.s32 $0x10000  }
.LBB2_1:
0xb: {  	[tilespmem:s3], [sflag:$0x1] =	stream.linear.gather [hbm4b:s4+s3], $0x10000, $0x38;
	v2 =	vmov s3;
	[tilespmem:$0x10280] =	vst v63  }
0xc: {  	_ =	swait.ge [sflag:s7], $0x10000;
	v2 =	vshll.u32 v2, $0x7  }
0xd: {  	[sflag:s7] =	ssyncset.done $0x0;
	v2 =	vor.u32 v0, v2  }
0xe: {  	[sflag:s7] =	ssyncadd.s32 $0xFFFF0000;
	v3 =	vor.u32 $0x1, v2  }
0xf: {  	[tilespmem:s8], [sflag:$0x1] =	stream.linear.gather [hbm4b:s2+s3], $0xA, $0x38;
	[tilespmem:$0x10280] =	vst v63  }
0x10: {  	_ =	swait.ge [sflag:s7], $0xA  }
0x11: {  	v4 =	vor.u32 $0x2, v2;
	[sflag:s7] =	ssyncset.done $0x0  }
0x12: {  	[sflag:s7] =	ssyncadd.s32 $0xFFFFFFF6  }
0x13: {  	v5 =	vor.u32 $0x3, v2;
	v3 =	vld.idx.msk [tilespmem:v3+s3+$0x0], $0xffff  }
0x14: {  	v6 =	vld.idx.msk [tilespmem:v2+s3+$0x0], $0xffff  }
0x15: {  	v7 =	vor.u32 $0x4, v2  }
0x16: {  	v4 =	vld.idx.msk [tilespmem:v4+s3+$0x0], $0xffff  }
0x17: {  	v8 =	vor.u32 $0x5, v2  }
0x18: {  	v5 =	vld.idx.msk [tilespmem:v5+s3+$0x0], $0xffff  }
0x19: {  	v9 =	vor.u32 $0x6, v2;
	vm0 =	vgt.f32 v3, v6  }
0x1a: {  	v7 =	vld.idx.msk [tilespmem:v7+s3+$0x0], $0xffff;
	v3 =	vsel vm0, v3, v6  }
0x1b: {  	v56 =	vor.u32 $0x7, v2;
	vm1 =	vgt.f32 v4, v3  }
0x1c: {  	v8 =	vld.idx.msk [tilespmem:v8+s3+$0x0], $0xffff;
	v3 =	vsel vm1, v4, v3  }
0x1d: {  	v4 =	vor.u32 $0x8, v2;
	vm2 =	vgt.f32 v5, v3  }
0x1e: {  	v9 =	vld.idx.msk [tilespmem:v9+s3+$0x0], $0xffff;
	v3 =	vsel vm2, v5, v3  }
0x1f: {  	v2 =	vor.u32 $0x9, v2;
	vm3 =	vgt.f32 v7, v3  }
0x20: {  	v5 =	vld.idx.msk [tilespmem:v56+s3+$0x0], $0xffff;
	v3 =	vsel vm3, v7, v3  }
0x21: {  	vm4 =	vgt.f32 v8, v3  }
0x22: {  	v57 =	vsel vm0, $0x1, v1;
	v4 =	vld.idx.msk [tilespmem:v4+s3+$0x0], $0xffff;
	v3 =	vsel vm4, v8, v3  }
0x23: {  	v6 =	vsel vm1, $0x2, v57;
	vm11 =	vgt.f32 v9, v3  }
0x24: {  	v6 =	vsel vm2, $0x3, v6;
	v2 =	vld.idx.msk [tilespmem:v2+s3+$0x0], $0xffff;
	v3 =	vsel vm11, v9, v3  }
0x25: {  	v6 =	vsel vm3, $0x4, v6;
	vm12 =	vgt.f32 v5, v3  }
0x26: {  	v6 =	vsel vm4, $0x5, v6;
	v3 =	vsel vm12, v5, v3  }
0x27: {  	v5 =	vsel vm11, $0x6, v6;
	vm13 =	vgt.f32 v4, v3  }
0x28: {  	v5 =	vsel vm12, $0x7, v5;
	v3 =	vsel vm13, v4, v3  }
0x29: {  	v4 =	vsel vm13, $0x8, v5;
	vm14 =	vgt.f32 v2, v3  }
0x2a: {  	v2 =	vsel vm14, $0x9, v4;
	_ =	sdelay $0x1  }
0x2b: {  	s11 =	simm.s32 $0x10  }
0x2c: {  	v3 =	vmov s11  }
0x2d: {  	v3 =	vshll.u32 v3, $0x7  }
0x2e: {  	v3 =	vor.u32 v0, v3;
	v2 =	vld.idx.msk [tilespmem:v2+s8+$0x0], $0xffff  }
0x2f: {  	v4 =	vor.u32 $0x1, v3;
	_ =	sdelay $0x2  }
0x30: {  	v5 =	vor.u32 $0x2, v3  }
0x31: {  	[tilespmem:s9+$0x0] =	vst v2  }
0x32: {  	v2 =	vld.idx.msk [tilespmem:v4+s3+$0x0], $0xffff;
	v4 =	vor.u32 $0x3, v3  }
0x33: {  	v58 =	vld.idx.msk [tilespmem:v3+s3+$0x0], $0xffff  }
0x34: {  	v59 =	vor.u32 $0x4, v3  }
0x35: {  	v5 =	vld.idx.msk [tilespmem:v5+s3+$0x0], $0xffff  }
0x36: {  	v60 =	vor.u32 $0x5, v3  }
0x37: {  	v4 =	vld.idx.msk [tilespmem:v4+s3+$0x0], $0xffff  }
0x38: {  	v61 =	vor.u32 $0x6, v3;
	vm15 =	vgt.f32 v2, v58  }
0x39: {  	v7 =	vld.idx.msk [tilespmem:v59+s3+$0x0], $0xffff;
	v2 =	vsel vm15, v2, v58  }
0x3a: {  	v62 =	vor.u32 $0x7, v3;
	vm8 =	vgt.f32 v5, v2  }
0x3b: {  	v8 =	vld.idx.msk [tilespmem:v60+s3+$0x0], $0xffff;
	v2 =	vsel vm8, v5, v2  }
0x3c: {  	v5 =	vor.u32 $0x8, v3;
	vm9 =	vgt.f32 v4, v2  }
0x3d: {  	v9 =	vld.idx.msk [tilespmem:v61+s3+$0x0], $0xffff;
	v2 =	vsel vm9, v4, v2  }
0x3e: {  	v3 =	vor.u32 $0x9, v3;
	vm10 =	vgt.f32 v7, v2  }
0x3f: {  	v4 =	vld.idx.msk [tilespmem:v62+s3+$0x0], $0xffff;
	v2 =	vsel vm10, v7, v2  }
0x40: {  	vm11 =	vgt.f32 v8, v2  }
0x41: {  	v63 =	vsel vm15, $0x1, v1;
	v5 =	vld.idx.msk [tilespmem:v5+s3+$0x0], $0xffff;
	v2 =	vsel vm11, v8, v2  }
0x42: {  	v6 =	vsel vm8, $0x2, v63;
	vm12 =	vgt.f32 v9, v2  }
0x43: {  	v6 =	vsel vm9, $0x3, v6;
	v3 =	vld.idx.msk [tilespmem:v3+s3+$0x0], $0xffff;
	v2 =	vsel vm12, v9, v2  }
0x44: {  	v6 =	vsel vm10, $0x4, v6;
	vm13 =	vgt.f32 v4, v2  }
0x45: {  	v6 =	vsel vm11, $0x5, v6;
	v2 =	vsel vm13, v4, v2  }
0x46: {  	v4 =	vsel vm12, $0x6, v6;
	vm14 =	vgt.f32 v5, v2  }
0x47: {  	v4 =	vsel vm13, $0x7, v4;
	v2 =	vsel vm14, v5, v2  }
0x48: {  	v4 =	vsel vm14, $0x8, v4;
	vm15 =	vgt.f32 v3, v2  }
0x49: {  	v2 =	vsel vm15, $0x9, v4;
	_ =	sdelay $0x2  }
0x4a: {  	s31 =	simm.s32 $0x20  }
0x4b: {  	v3 =	vmov s31  }
0x4c: {  	s12 =	simm.s32 $0x30;
	s11 =	simm.s32 $0x10080;
	v3 =	vshll.u32 v3, $0x7;
	v2 =	vld.idx.msk [tilespmem:v2+s8+$0x0], $0xffff  }
.LBB2_2:
0x4d: {  	p0 =	sne.s32 s12, $0x1F0;
	v3 =	vor.u32 v0, v3  }
0x4e: {  	v4 =	vor.u32 $0x1, v3;
	_ =	sdelay $0x2  }
0x4f: {  	s11 =	sadd.s32 $0x10, s11;
	v5 =	vor.u32 $0x2, v3  }
0x50: {  	[tilespmem:s11+$0x0] =	vst v2  }
0x51: {  	v2 =	vld.idx.msk [tilespmem:v4+s3+$0x0], $0xffff;
	v4 =	vor.u32 $0x3, v3  }
0x52: {  	v6 =	vld.idx.msk [tilespmem:v3+s3+$0x0], $0xffff  }
0x53: {  	v7 =	vor.u32 $0x4, v3  }
0x54: {  	v5 =	vld.idx.msk [tilespmem:v5+s3+$0x0], $0xffff  }
0x55: {  	v8 =	vor.u32 $0x5, v3  }
0x56: {  	v4 =	vld.idx.msk [tilespmem:v4+s3+$0x0], $0xffff  }
0x57: {  	v9 =	vor.u32 $0x6, v3  }
0x58: {  	vm0 =	vgt.f32 v2, v6;
	v7 =	vld.idx.msk [tilespmem:v7+s3+$0x0], $0xffff  }
0x59: {  	v2 =	vsel vm0, v2, v6;
	v6 =	vor.u32 $0x7, v3  }
0x5a: {  	vm1 =	vgt.f32 v5, v2;
	v8 =	vld.idx.msk [tilespmem:v8+s3+$0x0], $0xffff  }
0x5b: {  	v2 =	vsel vm1, v5, v2;
	v5 =	vor.u32 $0x8, v3  }
0x5c: {  	vm2 =	vgt.f32 v4, v2;
	v9 =	vld.idx.msk [tilespmem:v9+s3+$0x0], $0xffff  }
0x5d: {  	v3 =	vor.u32 $0x9, v3;
	v2 =	vsel vm2, v4, v2  }
0x5e: {  	vm3 =	vgt.f32 v7, v2;
	v4 =	vld.idx.msk [tilespmem:v6+s3+$0x0], $0xffff  }
0x5f: {  	v2 =	vsel vm3, v7, v2  }
0x60: {  	vm4 =	vgt.f32 v8, v2;
	v5 =	vld.idx.msk [tilespmem:v5+s3+$0x0], $0xffff  }
0x61: {  	v6 =	vsel vm0, $0x1, v1;
	v2 =	vsel vm4, v8, v2  }
0x62: {  	v6 =	vsel vm1, $0x2, v6;
	vm0 =	vgt.f32 v9, v2;
	v3 =	vld.idx.msk [tilespmem:v3+s3+$0x0], $0xffff  }
0x63: {  	v6 =	vsel vm2, $0x3, v6;
	v2 =	vsel vm0, v9, v2  }
0x64: {  	v6 =	vsel vm3, $0x4, v6;
	vm1 =	vgt.f32 v4, v2  }
0x65: {  	v6 =	vsel vm4, $0x5, v6;
	v2 =	vsel vm1, v4, v2  }
0x66: {  	v4 =	vsel vm0, $0x6, v6;
	vm0 =	vgt.f32 v5, v2  }
0x67: {  	v4 =	vsel vm1, $0x7, v4;
	v2 =	vsel vm0, v5, v2  }
0x68: {  	v4 =	vsel vm0, $0x8, v4;
	vm0 =	vgt.f32 v3, v2  }
0x69: {  	v2 =	vsel vm0, $0x9, v4  }
.Ltmp0:
0x6a: {  	(pc) =	sbr.rel @p0 .LBB2_2-.Ltmp0, $3  }
0x6b: {  	_ =	sdelay $0x1  }
0x6c: {  	v3 =	vmov s12  }
0x6d: {  	s12 =	sadd.s32 $0x10, s12;
	v3 =	vshll.u32 v3, $0x7;
	v2 =	vld.idx.msk [tilespmem:v2+s8+$0x0], $0xffff  }
0x6e: {  	v3 =	vor.u32 v0, v3  }
0x6f: {  	v4 =	vor.u32 $0x1, v3;
	_ =	sdelay $0x1  }
0x70: {  	s11 =	sadd.s32 $0x10, s11;
	v5 =	vor.u32 $0x2, v3  }
0x71: {  	[tilespmem:s11+$0x0] =	vst v2  }
0x72: {  	v58 =	vor.u32 $0x3, v3;
	v6 =	vld.idx.msk [tilespmem:v3+s3+$0x0], $0xffff  }
0x73: {  	v2 =	vld.idx.msk [tilespmem:v4+s3+$0x0], $0xffff  }
0x74: {  	v7 =	vor.u32 $0x4, v3  }
0x75: {  	v5 =	vld.idx.msk [tilespmem:v5+s3+$0x0], $0xffff  }
0x76: {  	v8 =	vor.u32 $0x5, v3  }
0x77: {  	v4 =	vld.idx.msk [tilespmem:v58+s3+$0x0], $0xffff  }
0x78: {  	v9 =	vor.u32 $0x6, v3;
	vm0 =	vgt.f32 v2, v6  }
0x79: {  	v7 =	vld.idx.msk [tilespmem:v7+s3+$0x0], $0xffff;
	v2 =	vsel vm0, v2, v6  }
0x7a: {  	v59 =	vor.u32 $0x7, v3;
	vm1 =	vgt.f32 v5, v2  }
0x7b: {  	v8 =	vld.idx.msk [tilespmem:v8+s3+$0x0], $0xffff;
	v2 =	vsel vm1, v5, v2  }
0x7c: {  	v60 =	vor.u32 $0x8, v3;
	vm2 =	vgt.f32 v4, v2  }
0x7d: {  	v9 =	vld.idx.msk [tilespmem:v9+s3+$0x0], $0xffff;
	v2 =	vsel vm2, v4, v2  }
0x7e: {  	v3 =	vor.u32 $0x9, v3;
	vm3 =	vgt.f32 v7, v2  }
0x7f: {  	v61 =	vld.idx.msk [tilespmem:v59+s3+$0x0], $0xffff;
	v2 =	vsel vm3, v7, v2  }
0x80: {  	vm4 =	vgt.f32 v8, v2  }
0x81: {  	v62 =	vsel vm0, $0x1, v1;
	v5 =	vld.idx.msk [tilespmem:v60+s3+$0x0], $0xffff;
	v2 =	vsel vm4, v8, v2  }
0x82: {  	v6 =	vsel vm1, $0x2, v62;
	vm12 =	vgt.f32 v9, v2  }
0x83: {  	v3 =	vld.idx.msk [tilespmem:v3+s3+$0x0], $0xffff;
	v6 =	vsel vm2, $0x3, v6;
	v2 =	vsel vm12, v9, v2  }
0x84: {  	v6 =	vsel vm3, $0x4, v6;
	vm13 =	vgt.f32 v61, v2  }
0x85: {  	v6 =	vsel vm4, $0x5, v6;
	v2 =	vsel vm13, v61, v2  }
0x86: {  	v63 =	vsel vm12, $0x6, v6;
	vm14 =	vgt.f32 v5, v2  }
0x87: {  	v4 =	vsel vm13, $0x7, v63;
	v2 =	vsel vm14, v5, v2  }
0x88: {  	v4 =	vsel vm14, $0x8, v4;
	vm15 =	vgt.f32 v3, v2  }
0x89: {  	v2 =	vsel vm15, $0x9, v4;
	_ =	sdelay $0x4  }
0x8a: {  	v2 =	vld.idx.msk [tilespmem:v2+s8+$0x0], $0xffff;
	_ =	sdelay $0x2  }
0x8b: {  	s10 =	sadd.s32 $0x1, s10  }
0x8c: {  	p0 =	sne.s32 s10, s6;
	s11 =	sadd.s32 $0x10, s11  }
.Ltmp1:
0x8d: {  	[tilespmem:s11+$0x0] =	vst v2;
	(pc) =	sbr.rel @p0 .LBB2_1-.Ltmp1, $4  }
0x8e: {  	[hbm4b:s5+s3] =	stream.linear.scatter [tilespmem:s9], [sflag:$0x1], $0x200, $0x38;
	[tilespmem:$0x10280] =	vst v63  }
0x8f: {  	_ =	swait.ge [sflag:s7], $0x200  }
0x90: {  	[sflag:s7] =	ssyncset.done $0x0  }
0x91: {  	[sflag:s7] =	ssyncadd.s32 $0xFFFFFE00  }
0x92: {  	_ =	sfence.sel $0x180000  }
0x93: {  	[bflag:$0x0] =	sbarrier.arrive $0xFFFF  }
0x94: {  	p0 =	sne.s32 s0, $0x0;
	_ =	strace $0x90000047  }
0x95: {  	s0 =	sadd.s32 @!p0 $0x100000, s1;
	[bflag:$0x2] =	sbarrier.arrive $0xFFFF  }
0x96: {  	[sflag:s0] =	ssyncadd.tile.s32 @!p0 $0x1;
	_ =	shalt  }
.Lfunc_end2:
_tile_overlayer_lowered:
.L_overlay_start_2:
0x97: {  	(tag) =	ssettag $0x2  }
0x98: {  	s0 =	rddreg [dreg:$0x0];
	s2 =	stileid.u32  }
0x99: {  	s1 =	rddreg [dreg:$0x1];
	p0 =	sne.s32 s2, $0x0  }
0x9a: {  	s3 =	rddreg [dreg:$0x2];
	[bflag:$0x3] =	sbarrier.arrive $0xFFFF;
	s2 =	simm.s32 @!p0 $0x1C01  }
0x9b: {  	[timem:s3], [sflag:s2] =	dma.local @!p0 [hbm:s0], s1  }
0x9c: {  	s0 =	simm.s32 @!p0 $0x1  }
0x9d: {  	_ =	swait.ge @!p0 [sflag:s0], s1  }
0x9e: {  	s1 =	ssub.s32 @!p0 $0x0, s1;
	[sflag:s0] =	ssyncset.done @!p0 $0x0  }
0x9f: {  	[sflag:s0] =	ssyncadd.s32 @!p0 s1  }
0xa0: {  	[bflag:$0x3] =	sbarrier.arrive $0xFFFF  }
0xa1: {  	_ =	shalt  }

</sc_bundles>
